<compile_context>
chip_gen: v7x
topology: tpu7x:2x2x1
jax: 0.10.2.dev20260603
libtpu: 0.0.44.dev20260713+nightly
codegen_flags: <defaults>
</compile_context>

<pallas_src>
import jax
import jax.numpy as jnp
from jax import lax
from jax.experimental import pallas as pl
from jax.experimental.pallas import tpu as pltpu
from jax.experimental.pallas import tpu_sc as plsc

_L = 16


def _sc_segment_sum(edge_index, x_flat, n_pad, n_workers, nc):
    e = edge_index.shape[1]
    ec = (e // n_workers) // 128 * 128
    tail = e - ec * n_workers
    assert tail % 128 == 0 and tail <= _L * n_workers

    def body(edge_hbm, x_hbm, out_hbm, x_v, acc_v, ed_v, tail_v,
             sem_x, sem_e, sem_t):
        wid = lax.axis_index("s") * nc + lax.axis_index("c")
        base = wid * ec
        cp_x = pltpu.async_copy(x_hbm, x_v, sem_x)
        cp_e = pltpu.async_copy(edge_hbm.at[:, pl.ds(base, ec)], ed_v, sem_e)
        cp_t = pltpu.async_copy(edge_hbm.at[:, pl.ds(n_workers * ec, tail)],
                                tail_v, sem_t)

        zeros = jnp.zeros((_L,), jnp.float32)

        @plsc.parallel_loop(0, n_pad // _L, 1, unroll=8)
        def _(j):
            acc_v[pl.ds(pl.multiple_of(j * _L, _L), _L)] = zeros

        cp_x.wait()
        cp_e.wait()

        @plsc.parallel_loop(0, ec // _L, 1, unroll=8)
        def _(i):
            off = pl.multiple_of(i * _L, _L)
            si = ed_v[0, pl.ds(off, _L)]
            di = ed_v[1, pl.ds(off, _L)]
            xg = plsc.load_gather(x_v, [si])
            plsc.addupdate_scatter(acc_v, [di], xg)

        cp_t.wait()

        @pl.when(wid * _L < tail)
        def _():
            toff = wid * _L
            si = tail_v[0, pl.ds(toff, _L)]
            di = tail_v[1, pl.ds(toff, _L)]
            xg = plsc.load_gather(x_v, [si])
            plsc.addupdate_scatter(acc_v, [di], xg)

        pltpu.sync_copy(acc_v, out_hbm.at[wid])

    mesh = plsc.VectorSubcoreMesh(core_axis_name="c", subcore_axis_name="s")
    return pl.kernel(
        body,
        out_type=jax.ShapeDtypeStruct((n_workers, n_pad), jnp.float32),
        mesh=mesh,
        compiler_params=pltpu.CompilerParams(needs_layout_passes=False),
        scratch_types=[
            pltpu.VMEM((x_flat.shape[0],), jnp.float32),
            pltpu.VMEM((n_pad,), jnp.float32),
            pltpu.VMEM((2, ec), jnp.int32),
            pltpu.VMEM((2, max(tail, _L)), jnp.int32),
            pltpu.SemaphoreType.DMA,
            pltpu.SemaphoreType.DMA,
            pltpu.SemaphoreType.DMA,
        ],
    )(edge_index, x_flat)


def _tc_dense(x_r, sp_r, win_r, binc_r, wself_r, wnbr_r, bmsgc_r, wout_r, bout_r,
              out_r):
    f32 = jnp.float32
    hp = lax.Precision.HIGHEST
    dn_rt = (((0,), (1,)), ((), ()))
    dn_cc = (((0,), (0,)), ((), ()))
    a1 = lax.dot_general(wself_r[...], win_r[...], dn_rt,
                         precision=hp, preferred_element_type=f32)
    a2 = lax.dot_general(wnbr_r[...], win_r[...], dn_rt,
                         precision=hp, preferred_element_type=f32)
    a3 = lax.dot_general(wself_r[...], binc_r[...], dn_cc,
                         precision=hp, preferred_element_type=f32)
    a3 = a3 + bmsgc_r[...]
    n = x_r.shape[1]
    s_row = jnp.sum(sp_r[...], axis=0, keepdims=True)[:, :n]
    feat = a1 * x_r[...] + a2 * s_row + a3
    h2 = jnp.maximum(feat, 0.0)
    o = jnp.sum(h2 * wout_r[...], axis=0, keepdims=True)
    out_r[...] = o + bout_r[...]


def kernel(x, edge_index, W_in, b_in, W_self, W_nbr, b_msg, W_out, b_out):
    n = x.shape[0]
    e = edge_index.shape[1]
    h = W_in.shape[1]

    info = plsc.get_sparse_core_info()
    nc, ns = info.num_cores, info.num_subcores
    nw = nc * ns
    n_pad = ((n + 127) // 128) * 128

    x_flat = x.reshape(n)

    s_parts = _sc_segment_sum(edge_index, x_flat, n_pad, nw, nc)

    out_row = pl.pallas_call(
        _tc_dense,
        out_shape=jax.ShapeDtypeStruct((1, n), jnp.float32),
    )(
        x_flat.reshape(1, n),
        s_parts,
        W_in,
        b_in.reshape(h, 1),
        W_self,
        W_nbr,
        b_msg.reshape(h, 1),
        W_out,
        b_out.reshape(1, 1),
    )
    return out_row.reshape(n, 1)

# --- scband reference (transcript-rebuilt; emitter-appended) ---
"""Pipeline reference for scband-gprojection-10677288698113 (READ-ONLY COPY).

The authoritative reference and input builder live on the scoring server;
editing this copy changes nothing except your own understanding.
"""

import jax, jax.numpy as jnp
import numpy as np

N = 10000
E = 320000
H = 128

def setup_inputs(seed: int = 0) -> dict:
    key = jax.random.key(seed)
    ks = jax.random.split(key, 9)
    x = jax.random.normal(ks[0], (N, 1), dtype=jnp.float32)
    edge_index = jax.random.randint(ks[1], (2, E), 0, N, dtype=jnp.int32)
    s_in = 1.0  # fan_in = 1
    s_h = 1.0 / np.sqrt(H)
    W_in = jax.random.normal(ks[2], (1, H), dtype=jnp.float32) * s_in
    b_in = jnp.zeros((H,), dtype=jnp.float32)
    W_self = jax.random.normal(ks[3], (H, H), dtype=jnp.float32) * s_h
    W_nbr = jax.random.normal(ks[4], (H, H), dtype=jnp.float32) * s_h
    b_msg = jnp.zeros((H,), dtype=jnp.float32)
    W_out = jax.random.normal(ks[5], (H, 1), dtype=jnp.float32) * s_h
    b_out = jnp.zeros((1,), dtype=jnp.float32)
    return {"x": x, "edge_index": edge_index, "W_in": W_in, "b_in": b_in,
            "W_self": W_self, "W_nbr": W_nbr, "b_msg": b_msg,
            "W_out": W_out, "b_out": b_out}

def reference(x, edge_index, W_in, b_in, W_self, W_nbr, b_msg, W_out, b_out):
    # in_proj: Linear(1 -> H)
    h = x @ W_in + b_in
    # message_module (graphconv_sum): h' = relu(W_self h + sum_{j in N(i)} W_nbr h_j)
    src = edge_index[0]
    dst = edge_index[1]
    msg = jnp.take(h, src, axis=0) @ W_nbr
    agg = jax.ops.segment_sum(msg, dst, num_segments=N)
    h2 = jax.nn.relu(h @ W_self + agg + b_msg)
    # out_proj: Linear(H -> 1)
    out = h2 @ W_out + b_out
    return out

if __name__ == "__main__":
    import jax
    _d = setup_inputs()
    print(jax.jit(kernel)(*tuple(_d.values())))

</pallas_src>

<mosaic_0001>
#map = affine_map<(d0, d1) -> (0, 0)>
#map1 = affine_map<(d0, d1) -> (0)>
module attributes {stable_mosaic.version = 14 : i64} {
  func.func @body(%arg0: i32, %arg1: i32, %arg2: memref<2x320000xi32, #tpu.memory_space<hbm>>, %arg3: memref<10000xf32, #tpu.memory_space<hbm>>, %arg4: memref<32x10112xf32, #tpu.memory_space<hbm>>, %arg5: memref<10000xf32, #tpu.memory_space<vmem>>, %arg6: memref<10112xf32, #tpu.memory_space<vmem>>, %arg7: memref<2x9984xi32, #tpu.memory_space<vmem>>, %arg8: memref<2x512xi32, #tpu.memory_space<vmem>>, %arg9: memref<!tpu.dma_semaphore, #tpu.memory_space<semaphore_mem>>, %arg10: memref<!tpu.dma_semaphore, #tpu.memory_space<semaphore_mem>>, %arg11: memref<!tpu.dma_semaphore, #tpu.memory_space<semaphore_mem>>) attributes {dimension_semantics = [#tpu.dimension_semantics<core_parallel>, #tpu.dimension_semantics<subcore_parallel>], iteration_bounds = array<i64: 2, 16>, scalar_prefetch = 0 : i64, scratch_operands = 7 : i64, tpu.core_type = #tpu.core_type<sc_vector_subcore>, window_params = [{transform_indices = #map}, {transform_indices = #map1}, {transform_indices = #map}]} {
    %mul3A = arith.constant 2 : i32
    %mul3A_0 = arith.muli %arg1, %mul3A : i32
    %add3A = arith.addi %mul3A_0, %arg0 : i32
    %mul3A_1 = arith.constant 9984 : i32
    %mul3A_2 = arith.muli %add3A, %mul3A_1 : i32
    tpu.enqueue_dma source(%arg3 : memref<10000xf32, #tpu.memory_space<hbm>>) target(%arg5 : memref<10000xf32, #tpu.memory_space<vmem>>) target_semaphore(%arg9 : memref<!tpu.dma_semaphore, #tpu.memory_space<semaphore_mem>>)
    %dma_start3A = arith.constant 0 : i32
    %dma_start3A_3 = tpu.memref_slice %arg2[%dma_start3A, %mul3A_2] : memref<2x320000xi32, #tpu.memory_space<hbm>> -> memref<2x9984xi32, #tpu.memory_space<hbm>>
    %dma_start3A_4 = arith.constant 0 : i32
    %dma_start3A_5 = tpu.memref_slice %arg2[%dma_start3A_4, %mul3A_2] : memref<2x320000xi32, #tpu.memory_space<hbm>> -> memref<2x9984xi32, #tpu.memory_space<hbm>>
    tpu.enqueue_dma source(%dma_start3A_5 : memref<2x9984xi32, #tpu.memory_space<hbm>>) target(%arg7 : memref<2x9984xi32, #tpu.memory_space<vmem>>) target_semaphore(%arg10 : memref<!tpu.dma_semaphore, #tpu.memory_space<semaphore_mem>>)
    %dma_start3A_6 = arith.constant 0 : i32
    %dma_start3A_7 = arith.constant 319488 : i32
    %dma_start3A_8 = tpu.memref_slice %arg2[%dma_start3A_6, %dma_start3A_7] : memref<2x320000xi32, #tpu.memory_space<hbm>> -> memref<2x512xi32, #tpu.memory_space<hbm>>
    %dma_start3A_9 = arith.constant 0 : i32
    %dma_start3A_10 = arith.constant 319488 : i32
    %dma_start3A_11 = tpu.memref_slice %arg2[%dma_start3A_9, %dma_start3A_10] : memref<2x320000xi32, #tpu.memory_space<hbm>> -> memref<2x512xi32, #tpu.memory_space<hbm>>
    tpu.enqueue_dma source(%dma_start3A_11 : memref<2x512xi32, #tpu.memory_space<hbm>>) target(%arg8 : memref<2x512xi32, #tpu.memory_space<vmem>>) target_semaphore(%arg11 : memref<!tpu.dma_semaphore, #tpu.memory_space<semaphore_mem>>)
    %broadcast_in_dim3A = arith.constant 0.000000e+00 : f32
    %broadcast_in_dim3A_12 = vector.broadcast %broadcast_in_dim3A : f32 to vector<16xf32>
    %parallel_loop3A = arith.constant 0 : i32
    %parallel_loop3A_13 = arith.constant 632 : i32
    %parallel_loop3A_14 = arith.constant 1 : i32
    scf.for %parallel_loop3A_31 = %parallel_loop3A to %parallel_loop3A_13 step %parallel_loop3A_14  : i32 {
      %parallel_loop3A_32 = arith.constant 16 : i32
      %parallel_loop3A_33 = arith.muli %parallel_loop3A_31, %parallel_loop3A_32 : i32
      %parallel_loop3A_34 = tpu.assume_multiple %parallel_loop3A_33, 16 : i32
      %parallel_loop3A_35 = arith.index_cast %parallel_loop3A_34 : i32 to index
      %parallel_loop3A_36 = tpu.vector_load %arg6[%parallel_loop3A_35] {strides = array<i32>} : memref<10112xf32, #tpu.memory_space<vmem>>, vector<16xf32>,
      tpu.vector_store %arg6[%parallel_loop3A_35], %broadcast_in_dim3A_12 {strides = array<i32>} : memref<10112xf32, #tpu.memory_space<vmem>>, vector<16xf32>,
    } {sc.loop_unroll_factor = 8 : i64, sc.parallel_access}
    tpu.wait_dma2 semaphore(%arg9 : memref<!tpu.dma_semaphore, #tpu.memory_space<semaphore_mem>>) src(%arg3 : memref<10000xf32, #tpu.memory_space<hbm>>) dst(%arg5 : memref<10000xf32, #tpu.memory_space<vmem>>)
    %dma_wait3A = arith.constant 0 : i32
    %dma_wait3A_15 = tpu.memref_slice %arg2[%dma_wait3A, %mul3A_2] : memref<2x320000xi32, #tpu.memory_space<hbm>> -> memref<2x9984xi32, #tpu.memory_space<hbm>>
    %dma_wait3A_16 = arith.constant 0 : i32
    %dma_wait3A_17 = tpu.memref_slice %arg2[%dma_wait3A_16, %mul3A_2] : memref<2x320000xi32, #tpu.memory_space<hbm>> -> memref<2x9984xi32, #tpu.memory_space<hbm>>
    tpu.wait_dma2 semaphore(%arg10 : memref<!tpu.dma_semaphore, #tpu.memory_space<semaphore_mem>>) src(%dma_wait3A_17 : memref<2x9984xi32, #tpu.memory_space<hbm>>) dst(%arg7 : memref<2x9984xi32, #tpu.memory_space<vmem>>)
    %parallel_loop3A_18 = arith.constant 0 : i32
    %parallel_loop3A_19 = arith.constant 624 : i32
    %parallel_loop3A_20 = arith.constant 1 : i32
    scf.for %parallel_loop3A_31 = %parallel_loop3A_18 to %parallel_loop3A_19 step %parallel_loop3A_20  : i32 {
      %parallel_loop3A_32 = arith.constant 16 : i32
      %parallel_loop3A_33 = arith.muli %parallel_loop3A_31, %parallel_loop3A_32 : i32
      %parallel_loop3A_34 = tpu.assume_multiple %parallel_loop3A_33, 16 : i32
      %parallel_loop3A_35 = arith.constant 0 : i32
      %parallel_loop3A_36 = arith.index_cast %parallel_loop3A_35 : i32 to index
      %parallel_loop3A_37 = arith.index_cast %parallel_loop3A_34 : i32 to index
      %parallel_loop3A_38 = tpu.vector_load %arg7[%parallel_loop3A_36, %parallel_loop3A_37] {strides = array<i32>} : memref<2x9984xi32, #tpu.memory_space<vmem>>, vector<16xi32>,
      %parallel_loop3A_39 = arith.constant 1 : i32
      %parallel_loop3A_40 = arith.index_cast %parallel_loop3A_39 : i32 to index
      %parallel_loop3A_41 = arith.index_cast %parallel_loop3A_34 : i32 to index
      %parallel_loop3A_42 = tpu.vector_load %arg7[%parallel_loop3A_40, %parallel_loop3A_41] {strides = array<i32>} : memref<2x9984xi32, #tpu.memory_space<vmem>>, vector<16xi32>,
      %parallel_loop3A_43 = tpu.vector_load_idx %arg5[%parallel_loop3A_38] : memref<10000xf32, #tpu.memory_space<vmem>>[vector<16xi32>], vector<16xf32>,
      tpu.vector_store_idx %arg6[%parallel_loop3A_42], %parallel_loop3A_43 {add = true} : memref<10112xf32, #tpu.memory_space<vmem>>[vector<16xi32>], vector<16xf32>,
    } {sc.loop_unroll_factor = 8 : i64, sc.parallel_access}
    %dma_wait3A_21 = arith.constant 0 : i32
    %dma_wait3A_22 = arith.constant 319488 : i32
    %dma_wait3A_23 = tpu.memref_slice %arg2[%dma_wait3A_21, %dma_wait3A_22] : memref<2x320000xi32, #tpu.memory_space<hbm>> -> memref<2x512xi32, #tpu.memory_space<hbm>>
    %dma_wait3A_24 = arith.constant 0 : i32
    %dma_wait3A_25 = arith.constant 319488 : i32
    %dma_wait3A_26 = tpu.memref_slice %arg2[%dma_wait3A_24, %dma_wait3A_25] : memref<2x320000xi32, #tpu.memory_space<hbm>> -> memref<2x512xi32, #tpu.memory_space<hbm>>
    tpu.wait_dma2 semaphore(%arg11 : memref<!tpu.dma_semaphore, #tpu.memory_space<semaphore_mem>>) src(%dma_wait3A_26 : memref<2x512xi32, #tpu.memory_space<hbm>>) dst(%arg8 : memref<2x512xi32, #tpu.memory_space<vmem>>)
    %mul3A_27 = arith.constant 16 : i32
    %mul3A_28 = arith.muli %add3A, %mul3A_27 : i32
    %lt3A = arith.constant 512 : i32
    %lt3A_29 = arith.cmpi slt, %mul3A_28, %lt3A : i32
    %convert_element_type3A = arith.extui %lt3A_29 : i1 to i32
    %cond3A = arith.constant 0 : i32
    %cond3A_30 = arith.cmpi ne, %convert_element_type3A, %cond3A : i32
    scf.if %cond3A_30 {
      %mul3A_31 = arith.constant 16 : i32
      %mul3A_32 = arith.muli %add3A, %mul3A_31 : i32
      %get3A = arith.constant 0 : i32
      %get3A_33 = arith.index_cast %get3A : i32 to index
      %get3A_34 = arith.index_cast %mul3A_32 : i32 to index
      %get3A_35 = tpu.vector_load %arg8[%get3A_33, %get3A_34] {strides = array<i32>} : memref<2x512xi32, #tpu.memory_space<vmem>>, vector<16xi32>,
      %get3A_36 = arith.constant 1 : i32
      %get3A_37 = arith.index_cast %get3A_36 : i32 to index
      %get3A_38 = arith.index_cast %mul3A_32 : i32 to index
      %get3A_39 = tpu.vector_load %arg8[%get3A_37, %get3A_38] {strides = array<i32>} : memref<2x512xi32, #tpu.memory_space<vmem>>, vector<16xi32>,
      %gather3A = tpu.vector_load_idx %arg5[%get3A_35] : memref<10000xf32, #tpu.memory_space<vmem>>[vector<16xi32>], vector<16xf32>,
      tpu.vector_store_idx %arg6[%get3A_39], %gather3A {add = true} : memref<10112xf32, #tpu.memory_space<vmem>>[vector<16xi32>], vector<16xf32>,
    } else {
    }
    "tpu.region"() ({
      %run_scoped3A = tpu.sem_alloc : memref<!tpu.dma_semaphore, #tpu.memory_space<semaphore_mem>>
      %dma_start3A_31 = arith.constant 0 : i32
      %dma_start3A_32 = tpu.memref_slice %arg4[%add3A, %dma_start3A_31] : memref<32x10112xf32, #tpu.memory_space<hbm>> -> memref<1x10112xf32, #tpu.memory_space<hbm>>
      %dma_start3A_33 = tpu.memref_squeeze %dma_start3A_32 : memref<1x10112xf32, #tpu.memory_space<hbm>> -> memref<10112xf32, #tpu.memory_space<hbm>>
      %dma_start3A_34 = arith.constant 0 : i32
      %dma_start3A_35 = tpu.memref_slice %arg4[%add3A, %dma_start3A_34] : memref<32x10112xf32, #tpu.memory_space<hbm>> -> memref<1x10112xf32, #tpu.memory_space<hbm>>
      %dma_start3A_36 = tpu.memref_squeeze %dma_start3A_35 : memref<1x10112xf32, #tpu.memory_space<hbm>> -> memref<10112xf32, #tpu.memory_space<hbm>>
      tpu.enqueue_dma source(%arg6 : memref<10112xf32, #tpu.memory_space<vmem>>) target(%dma_start3A_36 : memref<10112xf32, #tpu.memory_space<hbm>>) target_semaphore(%run_scoped3A : memref<!tpu.dma_semaphore, #tpu.memory_space<semaphore_mem>>)
      %dma_wait3A_37 = arith.constant 0 : i32
      %dma_wait3A_38 = tpu.memref_slice %arg4[%add3A, %dma_wait3A_37] : memref<32x10112xf32, #tpu.memory_space<hbm>> -> memref<1x10112xf32, #tpu.memory_space<hbm>>
      %dma_wait3A_39 = tpu.memref_squeeze %dma_wait3A_38 : memref<1x10112xf32, #tpu.memory_space<hbm>> -> memref<10112xf32, #tpu.memory_space<hbm>>
      %dma_wait3A_40 = arith.constant 0 : i32
      %dma_wait3A_41 = tpu.memref_slice %arg4[%add3A, %dma_wait3A_40] : memref<32x10112xf32, #tpu.memory_space<hbm>> -> memref<1x10112xf32, #tpu.memory_space<hbm>>
      %dma_wait3A_42 = tpu.memref_squeeze %dma_wait3A_41 : memref<1x10112xf32, #tpu.memory_space<hbm>> -> memref<10112xf32, #tpu.memory_space<hbm>>
      tpu.wait_dma2 semaphore(%run_scoped3A : memref<!tpu.dma_semaphore, #tpu.memory_space<semaphore_mem>>) src(%arg6 : memref<10112xf32, #tpu.memory_space<vmem>>) dst(%dma_wait3A_42 : memref<10112xf32, #tpu.memory_space<hbm>>)
      tpu.yield
    }) : () -> ()
    return
  }
}

module attributes {stable_mosaic.version = 14 : i64} {
  func.func @_tc_dense(%arg0: memref<1x10000xf32, #tpu.memory_space<vmem>>, %arg1: memref<32x10112xf32, #tpu.memory_space<vmem>>, %arg2: memref<1x128xf32, #tpu.memory_space<vmem>>, %arg3: memref<128x1xf32, #tpu.memory_space<vmem>>, %arg4: memref<128x128xf32, #tpu.memory_space<vmem>>, %arg5: memref<128x128xf32, #tpu.memory_space<vmem>>, %arg6: memref<128x1xf32, #tpu.memory_space<vmem>>, %arg7: memref<128x1xf32, #tpu.memory_space<vmem>>, %arg8: memref<1x1xf32, #tpu.memory_space<vmem>>, %arg9: memref<1x10000xf32, #tpu.memory_space<vmem>>) attributes {dimension_semantics = [], scalar_prefetch = 0 : i64, scratch_operands = 0 : i64, tpu.core_type = #tpu.core_type<tc>} {
    %get3A = arith.constant 0 : index
    %get3A_0 = arith.constant 0 : index
    %get3A_1 = vector.load %arg4[%get3A, %get3A_0] : memref<128x128xf32, #tpu.memory_space<vmem>>, vector<128x128xf32>
    %get3A_2 = arith.constant 0 : index
    %get3A_3 = arith.constant 0 : index
    %get3A_4 = vector.load %arg2[%get3A_2, %get3A_3] : memref<1x128xf32, #tpu.memory_space<vmem>>, vector<1x128xf32>
    %dot_general3A = arith.constant dense<0.000000e+00> : vector<128x1xf32>
    %dot_general3A_5 = tpu.matmul %get3A_1, %get3A_4, %dot_general3A {dimension_numbers = #tpu.dot_dimension_numbers<[0], [1], [1], [0], [0, 1, 1, 0], [], []>, precision = #tpu.contract_precision<fp32>, transpose_lhs_hint = false} : vector<128x128xf32>, vector<1x128xf32>, vector<128x1xf32> -> vector<128x1xf32>
    %get3A_6 = arith.constant 0 : index
    %get3A_7 = arith.constant 0 : index
    %get3A_8 = vector.load %arg5[%get3A_6, %get3A_7] : memref<128x128xf32, #tpu.memory_space<vmem>>, vector<128x128xf32>
    %get3A_9 = arith.constant 0 : index
    %get3A_10 = arith.constant 0 : index
    %get3A_11 = vector.load %arg2[%get3A_9, %get3A_10] : memref<1x128xf32, #tpu.memory_space<vmem>>, vector<1x128xf32>
    %dot_general3A_12 = arith.constant dense<0.000000e+00> : vector<128x1xf32>
    %dot_general3A_13 = tpu.matmul %get3A_8, %get3A_11, %dot_general3A_12 {dimension_numbers = #tpu.dot_dimension_numbers<[0], [1], [1], [0], [0, 1, 1, 0], [], []>, precision = #tpu.contract_precision<fp32>, transpose_lhs_hint = false} : vector<128x128xf32>, vector<1x128xf32>, vector<128x1xf32> -> vector<128x1xf32>
    %get3A_14 = arith.constant 0 : index
    %get3A_15 = arith.constant 0 : index
    %get3A_16 = vector.load %arg4[%get3A_14, %get3A_15] : memref<128x128xf32, #tpu.memory_space<vmem>>, vector<128x128xf32>
    %get3A_17 = arith.constant 0 : index
    %get3A_18 = arith.constant 0 : index
    %get3A_19 = vector.load %arg3[%get3A_17, %get3A_18] : memref<128x1xf32, #tpu.memory_space<vmem>>, vector<128x1xf32>
    %dot_general3A_20 = arith.constant dense<0.000000e+00> : vector<128x1xf32>
    %dot_general3A_21 = tpu.matmul %get3A_16, %get3A_19, %dot_general3A_20 {dimension_numbers = #tpu.dot_dimension_numbers<[0], [0], [1], [1], [0, 1, 1, 1], [], []>, precision = #tpu.contract_precision<fp32>, transpose_lhs_hint = false} : vector<128x128xf32>, vector<128x1xf32>, vector<128x1xf32> -> vector<128x1xf32>
    %get3A_22 = arith.constant 0 : index
    %get3A_23 = arith.constant 0 : index
    %get3A_24 = vector.load %arg6[%get3A_22, %get3A_23] : memref<128x1xf32, #tpu.memory_space<vmem>>, vector<128x1xf32>
    %add3A = arith.addf %dot_general3A_21, %get3A_24 : vector<128x1xf32>
    %get3A_25 = arith.constant 0 : index
    %get3A_26 = arith.constant 0 : index
    %get3A_27 = vector.load %arg1[%get3A_25, %get3A_26] : memref<32x10112xf32, #tpu.memory_space<vmem>>, vector<32x10112xf32>
    %reduce_sum3A = arith.constant dense<0.000000e+00> : vector<10112xf32>
    %reduce_sum3A_28 = vector.multi_reduction <add>, %get3A_27, %reduce_sum3A [0] : vector<32x10112xf32> to vector<10112xf32>
    %broadcast_in_dim3A = vector.shape_cast %reduce_sum3A_28 : vector<10112xf32> to vector<1x10112xf32>
    %slice3A = vector.extract_strided_slice %broadcast_in_dim3A {offsets = [0, 0], sizes = [1, 10000], strides = [1, 1]} : vector<1x10112xf32> to vector<1x10000xf32>
    %get3A_29 = arith.constant 0 : index
    %get3A_30 = arith.constant 0 : index
    %get3A_31 = vector.load %arg0[%get3A_29, %get3A_30] : memref<1x10000xf32, #tpu.memory_space<vmem>>, vector<1x10000xf32>
    %mul3A = vector.broadcast %dot_general3A_5 : vector<128x1xf32> to vector<128x10000xf32>
    %mul3A_32 = vector.broadcast %get3A_31 : vector<1x10000xf32> to vector<128x10000xf32>
    %mul3A_33 = arith.mulf %mul3A, %mul3A_32 : vector<128x10000xf32>
    %mul3A_34 = vector.broadcast %dot_general3A_13 : vector<128x1xf32> to vector<128x10000xf32>
    %mul3A_35 = vector.broadcast %slice3A : vector<1x10000xf32> to vector<128x10000xf32>
    %mul3A_36 = arith.mulf %mul3A_34, %mul3A_35 : vector<128x10000xf32>
    %add3A_37 = arith.addf %mul3A_33, %mul3A_36 : vector<128x10000xf32>
    %add3A_38 = vector.broadcast %add3A : vector<128x1xf32> to vector<128x10000xf32>
    %add3A_39 = arith.addf %add3A_37, %add3A_38 : vector<128x10000xf32>
    %max3A = arith.constant 0.000000e+00 : f32
    %max3A_40 = vector.broadcast %max3A : f32 to vector<128x10000xf32>
    %max3A_41 = arith.maximumf %add3A_39, %max3A_40 : vector<128x10000xf32>
    %get3A_42 = arith.constant 0 : index
    %get3A_43 = arith.constant 0 : index
    %get3A_44 = vector.load %arg7[%get3A_42, %get3A_43] : memref<128x1xf32, #tpu.memory_space<vmem>>, vector<128x1xf32>
    %mul3A_45 = vector.broadcast %get3A_44 : vector<128x1xf32> to vector<128x10000xf32>
    %mul3A_46 = arith.mulf %max3A_41, %mul3A_45 : vector<128x10000xf32>
    %reduce_sum3A_47 = arith.constant dense<0.000000e+00> : vector<10000xf32>
    %reduce_sum3A_48 = vector.multi_reduction <add>, %mul3A_46, %reduce_sum3A_47 [0] : vector<128x10000xf32> to vector<10000xf32>
    %broadcast_in_dim3A_49 = vector.shape_cast %reduce_sum3A_48 : vector<10000xf32> to vector<1x10000xf32>
    %get3A_50 = arith.constant 0 : index
    %get3A_51 = arith.constant 0 : index
    %get3A_52 = vector.load %arg8[%get3A_50, %get3A_51] : memref<1x1xf32, #tpu.memory_space<vmem>>, vector<1x1xf32>
    %add3A_53 = vector.broadcast %get3A_52 : vector<1x1xf32> to vector<1x10000xf32>
    %add3A_54 = arith.addf %broadcast_in_dim3A_49, %add3A_53 : vector<1x10000xf32>
    %swap3A = arith.constant 0 : index
    %swap3A_55 = arith.constant 0 : index
    %swap3A_56 = vector.load %arg9[%swap3A, %swap3A_55] : memref<1x10000xf32, #tpu.memory_space<vmem>>, vector<1x10000xf32>
    tpu.vector_store %arg9[%swap3A, %swap3A_55], %add3A_54 {strides = array<i32>} : memref<1x10000xf32, #tpu.memory_space<vmem>>, vector<1x10000xf32>,
    return
  }
}

</mosaic_0001>

<sc_bundles>
// kernel: kernel.4.cloned.1.call-start
scs
__scs_entry_jumppad:
0x0: {  	(pc) =	sbr.rel $0x88, $3  }
0x1: {  	(tag) =	ssettag $0x0;
	lr =	simm.s32 $0x1  }
0x2: {  	[smem:$0x3F98] =	sst lr;
	_ =	strace $0xD0000000  }
0x3: {  	_ = 	snop  }
0x4: {  	_ = 	snop  }
0x5: {  	_ = 	snop  }
0x6: {  	_ = 	snop  }
0x7: {  	_ = 	snop  }
__scs_overlays_trampoline_lowered:
0x8: {  	[smem:$0x3FA7] =	sst s0  }
0x9: {  	[smem:$0x3FA8] =	sst s1  }
0xa: {  	[smem:$0x3FA9] =	sst s2  }
0xb: {  	[smem:$0x3FAA] =	sst s3  }
0xc: {  	[smem:$0x3FAB] =	sst s4  }
0xd: {  	[smem:$0x3FAC] =	sst s5  }
0xe: {  	[smem:$0x3FAD] =	sst s6  }
0xf: {  	[smem:$0x3FAE] =	sst s7  }
0x10: {  	[smem:$0x3FAF] =	sst s8  }
0x11: {  	[smem:$0x3FB0] =	sst s9;
	s0 =	simm.s32 @!p0 $0x0  }
0x12: {  	s1 =	sld [smem:$0x3F96];
	s0 =	simm.s32 @p0 $0x1  }
0x13: {  	[smem:$0x3FB1] =	sst s0;
	s0 =	simm.s32 @!p1 $0x0  }
0x14: {  	s2 =	sld [smem:$0x3F95];
	s0 =	simm.s32 @p1 $0x1  }
0x15: {  	[smem:$0x3FB2] =	sst s0;
	s0 =	simm.s32 @!p2 $0x0  }
0x16: {  	s3 =	sld [smem:$0x3FDB];
	s0 =	simm.s32 @p2 $0x1  }
0x17: {  	s4 =	simm.s32 $0x1BF5;
	[smem:$0x3FB4] =	sst s0  }
0x18: {  	s0 =	sld [smem:$0x3F97];
	_ =	swait.ge [sflag:s4], $0x0  }
0x19: {  	s7 =	sld [smem:$0x3F98]  }
0x1a: {  	s8 =	sadd.s32 $0xFFFFE003, lr  }
0x1b: {  	s9 =	sadd.s32 $0xFFFFFEF7, lr;
	s5 =	simm.s32 $0xFFFFFFFF;
	p2 =	slt.u32 s8, $0xFFFFF086  }
0x1c: {  	p1 =	slt.u32 s9, $0xF7A;
	s5 =	simm.s32 @!p2 $0x0  }
0x1d: {  	s5 =	simm.s32 @p1 $0x1;
	p0 =	seq.s32 s7, s2  }
0x1e: {  	s7 =	smul.u32 @!p0 $0xF7A, s2;
	p2 =	seq.s32 @!p0 s5, $0x0  }
0x1f: {  	s9 =	smul.u32 $0xF7A, s1;
	s8 =	simm.s32 @!p0 $0x1BF5;
	p2 =	por !p2, p0  }
0x20: {  	[sflag:s8] =	ssyncset.s32 @!p0 $0xFFFFF086;
	s6 =	sadd.s32 @!p0 s3, s7;
	s7 =	simm.s32 @!p0 $0x108  }
0x21: {  	s3 =	sadd.s32 s3, s9;
	s6 =	sadd.s32 @!p0 $0x88, s6;
	s7 =	simm.s32 @p2 $0x1082  }
0x22: {  	[simem:s7], [sflag:s8] =	dma.local @!p0 [hbm:s6], $0xF7A  }
0x23: {  	s9 =	sor.u32 $0xD0000000, s2;
	s6 =	simm.s32 $0x108;
	_ =	swait.ge @!p0 [sflag:s8], $0x0  }
0x24: {  	s3 =	sadd.s32 $0x88, s3;
	s6 =	simm.s32 @!p1 $0x1082;
	[sflag:s4] =	ssyncset.s32 $0xFFFFF086  }
0x25: {  	[simem:s6], [sflag:s4] =	dma.local [hbm:s3], $0xF7A  }
0x26: {  	[smem:$0x3F98] =	sst s1;
	(tag) =	ssettag s2;
	_ =	strace s9  }
0x27: {  	s1 =	sld [smem:$0x3FA8]  }
0x28: {  	s2 =	sld [smem:$0x3FA9]  }
0x29: {  	s4 =	sld [smem:$0x3FAB]  }
0x2a: {  	p0 =	seq.s32 s5, $0x0;
	s5 =	sld [smem:$0x3FAC]  }
0x2b: {  	s6 =	sld [smem:$0x3FAD]  }
0x2c: {  	s7 =	sld [smem:$0x3FAE]  }
0x2d: {  	s3 =	simm.s32 $0x108;
	s8 =	sld [smem:$0x3FAF]  }
0x2e: {  	s3 =	simm.s32 @!p0 $0x1082;
	s9 =	sld [smem:$0x3FB0]  }
0x2f: {  	lr =	sadd.s32 s0, s3;
	s0 =	sld [smem:$0x3FA7]  }
0x30: {  	s3 =	sld [smem:$0x3FAA]  }
0x31: {  	[smem:$0x3FB3] =	sst s10  }
0x32: {  	s10 =	sld [smem:$0x3FB1];
	_ =	sdelay $0x3  }
0x33: {  	p0 =	seq.s32 s10, $0x1;
	s10 =	sld [smem:$0x3FB3];
	_ =	sdelay $0x3  }
0x34: {  	[smem:$0x3FB3] =	sst s10  }
0x35: {  	s10 =	sld [smem:$0x3FB2];
	_ =	sdelay $0x3  }
0x36: {  	p1 =	seq.s32 s10, $0x1;
	s10 =	sld [smem:$0x3FB3];
	_ =	sdelay $0x3  }
0x37: {  	[smem:$0x3FB3] =	sst s10  }
0x38: {  	s10 =	sld [smem:$0x3FB4]  }
0x39: {  	_ = 	snop;
	(pc) =	sbr.ind lr, $3  }
0x3a: {  	_ = 	snop  }
0x3b: {  	_ = 	snop  }
0x3c: {  	p2 =	seq.s32 s10, $0x1;
	s10 =	sld [smem:$0x3FB3]  }
0x3d: {  	_ =	shalt  }
0x3e: {  	_ =	shalt  }
0x3f: {  	_ =	shalt  }
0x40: {  	_ =	shalt  }
0x41: {  	_ =	shalt  }
0x42: {  	_ =	shalt  }
0x43: {  	_ =	shalt  }
0x44: {  	_ =	shalt  }
0x45: {  	_ =	shalt  }
0x46: {  	_ =	shalt  }
0x47: {  	_ =	shalt  }
0x48: {  	_ =	shalt  }
0x49: {  	_ =	shalt  }
0x4a: {  	_ =	shalt  }
0x4b: {  	_ =	shalt  }
0x4c: {  	_ =	shalt  }
0x4d: {  	_ =	shalt  }
0x4e: {  	_ =	shalt  }
0x4f: {  	_ =	shalt  }
0x50: {  	_ =	shalt  }
0x51: {  	_ =	shalt  }
0x52: {  	_ =	shalt  }
0x53: {  	_ =	shalt  }
0x54: {  	_ =	shalt  }
0x55: {  	_ =	shalt  }
0x56: {  	_ =	shalt  }
0x57: {  	_ =	shalt  }
0x58: {  	_ =	shalt  }
0x59: {  	_ =	shalt  }
0x5a: {  	_ =	shalt  }
0x5b: {  	_ =	shalt  }
0x5c: {  	_ =	shalt  }
0x5d: {  	_ =	shalt  }
0x5e: {  	_ =	shalt  }
0x5f: {  	_ =	shalt  }
0x60: {  	_ =	shalt  }
0x61: {  	_ =	shalt  }
0x62: {  	_ =	shalt  }
0x63: {  	_ =	shalt  }
0x64: {  	_ =	shalt  }
0x65: {  	_ =	shalt  }
0x66: {  	_ =	shalt  }
0x67: {  	_ =	shalt  }
0x68: {  	_ =	shalt  }
0x69: {  	_ =	shalt  }
0x6a: {  	_ =	shalt  }
0x6b: {  	_ =	shalt  }
0x6c: {  	_ =	shalt  }
0x6d: {  	_ =	shalt  }
0x6e: {  	_ =	shalt  }
0x6f: {  	_ =	shalt  }
0x70: {  	_ =	shalt  }
0x71: {  	_ =	shalt  }
0x72: {  	_ =	shalt  }
0x73: {  	_ =	shalt  }
0x74: {  	_ =	shalt  }
0x75: {  	_ =	shalt  }
0x76: {  	_ =	shalt  }
0x77: {  	_ =	shalt  }
0x78: {  	_ =	shalt  }
0x79: {  	_ =	shalt  }
0x7a: {  	_ =	shalt  }
0x7b: {  	_ =	shalt  }
0x7c: {  	_ =	shalt  }
0x7d: {  	_ =	shalt  }
0x7e: {  	_ =	shalt  }
0x7f: {  	_ =	shalt  }
0x80: {  	_ =	shalt  }
0x81: {  	_ =	shalt  }
0x82: {  	_ =	shalt  }
0x83: {  	_ =	shalt  }
0x84: {  	_ =	shalt  }
0x85: {  	_ =	shalt  }
0x86: {  	_ =	shalt  }
0x87: {  	_ =	shalt  }
.Lfunc_end0:
.L_simem_size_0:
called_computation_lowered:
.L_overlay_start_0:
0x88: {  	s2 =	sld [smem:$0x3FD9]  }
0x89: {  	s3 =	sld [smem:$0x3FFE];
	_ =	sdelay $0x1  }
0x8a: {  	s1 =	srdreg.scid  }
0x8b: {  	s0 =	sand.u32 $0x1, s1  }
0x8c: {  	s17 =	sshll.u32 s0, $0xA;
	s2 =	sadd.s32 s3, s2  }
0x8d: {  	s2 =	sadd.s32 s2, s17  }
0x8e: {  	[smem:$0x3FBF] =	sst s2  }
0x8f: {  	_ = 	snop  }
0x90: {  	s2 =	sld [smem:$0x3FC8];
	(tm) =	ssettm $0x1  }
0x91: {  	s18 =	sld [smem:$0x3FFB];
	_ =	sdelay $0x3  }
0x92: {  	_ =	strace s18  }
0x93: {  	s3 =	sld [smem:$0x3FFC];
	_ =	sdelay $0x3  }
0x94: {  	_ =	strace s3  }
0x95: {  	s3 =	sld [smem:$0x3FFD];
	_ =	sdelay $0x3  }
0x96: {  	_ =	strace s3  }
0x97: {  	_ =	strace $0x8FFFFFFF  }
0x98: {  	s19 =	sld [smem:$0x3FDB];
	_ =	sdelay $0x1  }
0x99: {  	s4 =	simm.s32 $_scs_section_size  }
0x9a: {  	s5 =	simm.s32 $_size__tile_overlayer_lowered;
	s6 =	simm.s32 $_tile_overlayer_lowered  }
0x9b: {  	s22 =	simm.s32 $0x1BFF;
	s21 =	sshll.u32 s6, $0x1;
	s3 =	sadd.s32 s4, s19  }
0x9c: {  	s7 =	simm.s32 $0x0;
	s20 =	sshll.u32 s5, $0x1;
	s5 =	sadd.s32 s21, s3  }
0x9d: {  	[timem:s7], [sflag:s22] =	dma.local [hbm:s5], s20  }
0x9e: {  	_ =	swait.ge [sflag:s22], s20  }
0x9f: {  	s4 =	ssub.s32 $0x0, s20;
	[sflag:s22] =	ssyncset.done $0x0  }
0xa0: {  	[sflag:s22] =	ssyncadd.s32 s4;
	_ =	sdelay $0x1  }
0xa1: {  	s23 =	simm.s32 $0x1B8B  }
0xa2: {  	_ =	swait.ge [sflag:s23], $0x1  }
0xa3: {  	[sflag:s23] =	ssyncset.done $0x0  }
0xa4: {  	s25 =	simm.s32 $0x1B8E;
	s24 =	sld [smem:$0x3FFE];
	[sflag:s23] =	ssyncadd.s32 $0xFFFFFFFF  }
0xa5: {  	s26 =	simm.s32 $execute0_lowered;
	[smem:$0x3FD2] =	sst s25  }
0xa6: {  	s5 =	sshll.u32 s26, $0x1;
	_ =	strace $0x80000046;
	[dreg:$0x1] =	wrdreg $0xFFFFFFFF  }
0xa7: {  	s28 =	simm.s32 $_size_execute0_lowered;
	s3 =	sadd.s32 s3, s5;
	[dreg:$0x0] =	wrdreg $0x0  }
0xa8: {  	s5 =	sshll.u32 s28, $0x1;
	[dreg:$0x2] =	wrdreg s3  }
0xa9: {  	[dreg:$0x3] =	wrdreg s5  }
0xaa: {  	[dreg:$0x4] =	wrdreg $0xC0  }
0xab: {  	_ =	task [dreg:s7], $0x5FFFF  }
0xac: {  	[dreg:$0x1] =	wrdreg $0xFFFFFFFF  }
0xad: {  	[dreg:$0x0] =	wrdreg $0x60  }
0xae: {  	[dreg:$0x2] =	wrdreg s2  }
0xaf: {  	[dreg:$0x3] =	wrdreg s24  }
0xb0: {  	[dreg:$0x4] =	wrdreg $0x9  }
0xb1: {  	_ =	task.clear_ibuf [dreg:s7], $0x5FFFF;
	_ =	strace $0x90000046  }
0xb2: {  	s29 =	simm.s32 $0x9;
	_ =	strace $0x80000048  }
0xb3: {  	_ =	swait.ge [sflag:s29], $0x1  }
0xb4: {  	[sflag:s29] =	ssyncadd.s32 $0xFFFFFFFF  }
0xb5: {  	_ =	strace $0x90000048  }
0xb6: {  	_ =	sfence  }
0xb7: {  	s30 =	sld [smem:$0x0];
	_ =	sdelay $0x2  }
0xb8: {  	s31 =	sshll.u32 s1, $0xD;
	s1 =	sshrl.u32 s1, $0x2  }
0xb9: {  	s3 =	sand.u32 $0x4000, s31;
	s1 =	sadd.s32 s1, s30  }
0xba: {  	s0 =	sor.u32 s3, s0;
	s1 =	sshll.u32 s1, $0x11  }
0xbb: {  	s0 =	sor.u32 s1, s0  }
0xbc: {  	s0 =	sadd.s32 $0x8F2B, s0  }
0xbd: {  	[sflag:s0] =	ssyncadd.remote.s32 $0x1  }
0xbe: {  	_ =	sfence.sel $0xFFFF  }
0xbf: {  	[dreg:$0x0] =	wrdreg $0xFFFFFFFF;
	(pc) =	sbr.abs _section_cstart, $3  }
0xc0: {  	[dreg:$0x1] =	wrdreg $0xFFFFFFFF  }
0xc1: {  	_ =	task.clear_ibuf [dreg:s7], $0x2FFFF;
	_ =	strace $0x9FFFFFFF  }
0xc2: {  	(tm) =	ssettm $0x7FFFFFFF  }
0xc3: {  	_ =	shalt  }
tec
execute0_lowered:
.L_overlay_start_1:
0x0: {  	(tag) =	ssettag $0x1  }
0x1: {  	s6 =	rddreg [dreg:$0x0];
	s1 =	srdreg.scid  }
0x2: {  	s0 =	stileid.u32;
	s4 =	rddreg [dreg:$0x1]  }
0x3: {  	s12 =	simm.s32 $0x1;
	s13 =	simm.s32 $0x2;
	s14 =	simm.s32 $0x2780  }
0x4: {  	s15 =	simm.s32 $0x3;
	s16 =	simm.s32 $0x80;
	s17 =	simm.s32 $0x400  }
0x5: {  	s18 =	simm.s32 $0x4;
	s19 =	simm.s32 $0x0;
	s5 =	sand.u32 $0x1, s1  }
0x6: {  	s2 =	sshll.u32 s0, $0x1;
	s1 =	rddreg [dreg:$0x2];
	s3 =	sshrl.u32 s0, $0x2  }
0x7: {  	s11 =	sshll.u32 s0, $0x6;
	s7 =	sor.u32 s5, s2;
	s2 =	simm.s32 $0x0  }
0x8: {  	s3 =	smul.u32 $0x13C00, s3;
	s5 =	ssub.s32 $0x2, s5;
	s11 =	sand.u32 $0x300, s11  }
0x9: {  	s8 =	sshll.u32 s7, $0x7;
	[smem:$0x7FF] =	sst s2;
	s9 =	sshrl.u32 s5, $0x1  }
0xa: {  	s10 =	sshll.u32 s7, $0x4;
	s7 =	smul.u32 $0x9C0, s7;
	s8 =	sand.u32 $0x380, s8  }
0xb: {  	_ =	strace $0x80000047;
	s10 =	sand.u32 $0x70, s10;
	s9 =	ssub.s32 s5, s9  }
0xc: {  	s8 =	sor.u32 s3, s8;
	s3 =	sadd.s32 $0x1000, s4;
	s5 =	sadd.s32 s6, s7  }
0xd: {  	s6 =	sadd.s32 $0x13800, s6;
	s9 =	smax.u32 s9, $0x1;
	s8 =	sshrl.u32 s8, $0x3  }
0xe: {  	s8 =	sadd.s32 s8, s4;
	s4 =	sor.u32 s10, s11;
	s10 =	simm.s32 $0x4F00  }
0xf: {  	v0 =	vimm.f32 $0.0e+00;
	s11 =	simm.s32 $0x9D00;
	s7 =	sadd.s32 $0x9D00, s4;
	s8 =	sadd.s32 $0x1600, s8  }
.LBB2_1:
0x10: {  	[tilespmem:s2], [sflag:$0x1] =	stream.linear.gather [hbm4b:s3+s2], $0x2780, $0x38;
	[tilespmem:$0xA100] =	vst v63  }
0x11: {  	_ = 	snop  }
0x12: {  	[tilespmem:s10], [sflag:$0x2] =	stream.linear.gather [hbm4b:s5+s2], $0x4E00, $0x38;
	[tilespmem:$0xA100] =	vst v63  }
0x13: {  	s20 =	simm.s32 $0x27C0  }
0x14: {  	[tilespmem:s11], [sflag:$0x3] =	stream.linear.gather [hbm4b:s6+s2], $0x400, $0x38;
	[tilespmem:$0xA100] =	vst v63  }
0x15: {  	[tilespmem:s20+$0xFFFFFFC0] =	vst v0  }
0x16: {  	[tilespmem:s20+$0x30] =	vst v0  }
0x17: {  	[tilespmem:s20+$0x20] =	vst v0  }
0x18: {  	[tilespmem:s20+$0x10] =	vst v0  }
0x19: {  	[tilespmem:s20+$0x0] =	vst v0  }
0x1a: {  	[tilespmem:s20+$0xFFFFFFF0] =	vst v0  }
0x1b: {  	s21 =	simm.s32 $0x0;
	[tilespmem:s20+$0xFFFFFFE0] =	vst v0  }
.LBB2_2:
0x1c: {  	s21 =	sadd.s32 $0x8, s21;
	[tilespmem:s20+$0xFFFFFFD0] =	vst v0;
	s20 =	sadd.s32 $0x80, s20  }
0x1d: {  	[tilespmem:s20+$0xFFFFFFC0] =	vst v0;
	p0 =	slt.u32 s21, $0x270  }
0x1e: {  	[tilespmem:s20+$0x30] =	vst v0  }
.Ltmp0:
0x1f: {  	[tilespmem:s20+$0x20] =	vst v0;
	(pc) =	sbr.rel @p0 .LBB2_2-.Ltmp0, $4  }
0x20: {  	[tilespmem:s20+$0x10] =	vst v0  }
0x21: {  	[tilespmem:s20+$0x0] =	vst v0  }
0x22: {  	[tilespmem:s20+$0xFFFFFFF0] =	vst v0  }
0x23: {  	[tilespmem:s20+$0xFFFFFFE0] =	vst v0  }
0x24: {  	[tilespmem:s20+$0xFFFFFFD0] =	vst v0  }
0x25: {  	_ =	swait.ge [sflag:s12], $0x2780  }
0x26: {  	[sflag:s12] =	ssyncset.done $0x0  }
0x27: {  	[sflag:s12] =	ssyncadd.s32 $0xFFFFD880  }
0x28: {  	_ =	swait.ge [sflag:s13], $0x4E00  }
0x29: {  	[sflag:s13] =	ssyncset.done $0x0  }
0x2a: {  	s31 =	simm.s32 $0x4F80;
	[sflag:s13] =	ssyncadd.s32 $0xFFFFB200  }
0x2b: {  	v1 =	vld [tilespmem:s31+$0xFFFFFFF0]  }
0x2c: {  	v2 =	vld [tilespmem:s31+$0xFFFFFF90]  }
0x2d: {  	v3 =	vld [tilespmem:s31+$0xFFFFFFA0]  }
0x2e: {  	v4 =	vld [tilespmem:s31+$0xFFFFFFB0]  }
0x2f: {  	v5 =	vld [tilespmem:s31+$0xFFFFFFC0]  }
0x30: {  	v6 =	vld [tilespmem:s31+$0xFFFFFFD0]  }
0x31: {  	v7 =	vld [tilespmem:s31+$0x70]  }
0x32: {  	v8 =	vld [tilespmem:s31+$0xFFFFFFE0]  }
0x33: {  	v9 =	vld [tilespmem:s31+$0xFFFFFF80]  }
0x34: {  	v63 =	vld [tilespmem:s31+$0x0]  }
0x35: {  	v11 =	vld [tilespmem:s31+$0x10]  }
0x36: {  	v12 =	vld [tilespmem:s31+$0x20]  }
0x37: {  	v13 =	vld [tilespmem:s31+$0x30]  }
0x38: {  	v14 =	vld [tilespmem:s31+$0x40]  }
0x39: {  	v15 =	vld [tilespmem:s31+$0x50]  }
0x3a: {  	v1 =	vld.idx.msk [tilespmem:v1+s2+$0x0], $0xffff  }
0x3b: {  	v10 =	vld.idx.msk [tilespmem:v2+s2+$0x0], $0xffff  }
0x3c: {  	v3 =	vld.idx.msk [tilespmem:v3+s2+$0x0], $0xffff  }
0x3d: {  	v4 =	vld.idx.msk [tilespmem:v4+s2+$0x0], $0xffff  }
0x3e: {  	v5 =	vld.idx.msk [tilespmem:v5+s2+$0x0], $0xffff  }
0x3f: {  	v62 =	vld.idx.msk [tilespmem:v9+s2+$0x0], $0xffff  }
0x40: {  	v6 =	vld.idx.msk [tilespmem:v6+s2+$0x0], $0xffff  }
0x41: {  	v2 =	vld [tilespmem:s31+$0x60]  }
0x42: {  	[tilespmem:v7+s14+$0x0] =	vst.idx.add.f32.msk $0xffff, v1  }
0x43: {  	v1 =	vld.idx.msk [tilespmem:v8+s2+$0x0], $0xffff  }
0x44: {  	[tilespmem:v63+s14+$0x0] =	vst.idx.add.f32.msk $0xffff, v62  }
0x45: {  	[tilespmem:v11+s14+$0x0] =	vst.idx.add.f32.msk $0xffff, v10  }
0x46: {  	[tilespmem:v12+s14+$0x0] =	vst.idx.add.f32.msk $0xffff, v3  }
0x47: {  	[tilespmem:v13+s14+$0x0] =	vst.idx.add.f32.msk $0xffff, v4  }
0x48: {  	[tilespmem:v14+s14+$0x0] =	vst.idx.add.f32.msk $0xffff, v5  }
0x49: {  	s20 =	simm.s32 $0x0;
	s21 =	simm.s32 $0x5080;
	[tilespmem:v15+s14+$0x0] =	vst.idx.add.f32.msk $0xffff, v6  }
.LBB2_4:
0x4a: {  	v3 =	vld [tilespmem:s21+$0xFFFFFFF0];
	s20 =	sadd.s32 $0x8, s20  }
0x4b: {  	v4 =	vld [tilespmem:s21+$0xFFFFFF90];
	p0 =	slt.u32 s20, $0x268  }
0x4c: {  	v5 =	vld [tilespmem:s21+$0xFFFFFFA0]  }
0x4d: {  	v6 =	vld [tilespmem:s21+$0xFFFFFFB0]  }
0x4e: {  	v7 =	vld [tilespmem:s21+$0xFFFFFFC0]  }
0x4f: {  	v8 =	vld [tilespmem:s21+$0xFFFFFFD0]  }
0x50: {  	v9 =	vld [tilespmem:s21+$0x70]  }
0x51: {  	v10 =	vld [tilespmem:s21+$0xFFFFFFE0]  }
0x52: {  	v3 =	vld.idx.msk [tilespmem:v3+s2+$0x0], $0xffff  }
0x53: {  	v11 =	vld [tilespmem:s21+$0xFFFFFF80]  }
0x54: {  	v4 =	vld.idx.msk [tilespmem:v4+s2+$0x0], $0xffff  }
0x55: {  	v5 =	vld.idx.msk [tilespmem:v5+s2+$0x0], $0xffff  }
0x56: {  	v6 =	vld.idx.msk [tilespmem:v6+s2+$0x0], $0xffff  }
0x57: {  	v7 =	vld.idx.msk [tilespmem:v7+s2+$0x0], $0xffff  }
0x58: {  	[tilespmem:v9+s14+$0x0] =	vst.idx.add.f32.msk $0xffff, v3  }
0x59: {  	v3 =	vld.idx.msk [tilespmem:v8+s2+$0x0], $0xffff  }
0x5a: {  	v8 =	vld.idx.msk [tilespmem:v10+s2+$0x0], $0xffff  }
0x5b: {  	v9 =	vld.idx.msk [tilespmem:v11+s2+$0x0], $0xffff  }
0x5c: {  	v10 =	vld [tilespmem:s21+$0x0]  }
0x5d: {  	v11 =	vld [tilespmem:s21+$0x10]  }
0x5e: {  	v12 =	vld [tilespmem:s21+$0x20]  }
0x5f: {  	v13 =	vld [tilespmem:s21+$0x30]  }
0x60: {  	v14 =	vld [tilespmem:s21+$0x40]  }
0x61: {  	v15 =	vld [tilespmem:s21+$0x50]  }
0x62: {  	v16 =	vld [tilespmem:s21+$0x60]  }
0x63: {  	[tilespmem:v2+s14+$0x0] =	vst.idx.add.f32.msk $0xffff, v1;
	v1 =	vmov v8  }
0x64: {  	[tilespmem:v10+s14+$0x0] =	vst.idx.add.f32.msk $0xffff, v9  }
.Ltmp1:
0x65: {  	[tilespmem:v11+s14+$0x0] =	vst.idx.add.f32.msk $0xffff, v4;
	(pc) =	sbr.rel @p0 .LBB2_4-.Ltmp1, $4  }
0x66: {  	[tilespmem:v12+s14+$0x0] =	vst.idx.add.f32.msk $0xffff, v5  }
0x67: {  	[tilespmem:v13+s14+$0x0] =	vst.idx.add.f32.msk $0xffff, v6;
	v2 =	vmov v16  }
0x68: {  	[tilespmem:v14+s14+$0x0] =	vst.idx.add.f32.msk $0xffff, v7  }
0x69: {  	s21 =	sadd.s32 $0x100, s21;
	[tilespmem:v15+s14+$0x0] =	vst.idx.add.f32.msk $0xffff, v3  }
0x6a: {  	_ =	sdelay $0x3  }
0x6b: {  	[tilespmem:v2+s14+$0x0] =	vst.idx.add.f32.msk $0xffff, v1  }
0x6c: {  	_ =	swait.ge [sflag:s15], $0x400  }
0x6d: {  	[sflag:s15] =	ssyncset.done $0x0  }
0x6e: {  	[sflag:s15] =	ssyncadd.s32 $0xFFFFFC00  }
0x6f: {  	v1 =	vld [tilespmem:s4+$0x9D00];
	_ =	sdelay $0x4  }
0x70: {  	v2 =	vld [tilespmem:s7+$0x80];
	_ =	sdelay $0x2  }
0x71: {  	v1 =	vld.idx.msk [tilespmem:v1+s2+$0x0], $0xffff;
	_ =	sdelay $0x2  }
0x72: {  	s19 =	sadd.s32 $0x1, s19  }
0x73: {  	p0 =	sne.s32 s19, s9  }
.Ltmp2:
0x74: {  	[tilespmem:v2+s14+$0x0] =	vst.idx.add.f32.msk $0xffff, v1;
	(pc) =	sbr.rel @p0 .LBB2_1-.Ltmp2, $4  }
0x75: {  	[hbm4b:s8+s16] =	stream.strided.scatter [tilespmem:s14], [sflag:$0x4], $0x2780, s17, s16, $0x38;
	[tilespmem:$0xA100] =	vst v63  }
0x76: {  	_ =	swait.ge [sflag:s18], $0x2780  }
0x77: {  	[sflag:s18] =	ssyncset.done $0x0  }
0x78: {  	[sflag:s18] =	ssyncadd.s32 $0xFFFFD880  }
0x79: {  	_ =	sfence.sel $0x180000  }
0x7a: {  	[bflag:$0x0] =	sbarrier.arrive $0xFFFF  }
0x7b: {  	p0 =	sne.s32 s0, $0x0;
	_ =	strace $0x90000047  }
0x7c: {  	s0 =	sadd.s32 @!p0 $0x100000, s1;
	[bflag:$0x2] =	sbarrier.arrive $0xFFFF  }
0x7d: {  	[sflag:s0] =	ssyncadd.tile.s32 @!p0 $0x1;
	_ =	shalt  }
.Lfunc_end2:
_tile_overlayer_lowered:
.L_overlay_start_2:
0x7e: {  	(tag) =	ssettag $0x2  }
0x7f: {  	s0 =	rddreg [dreg:$0x0];
	s2 =	stileid.u32  }
0x80: {  	s1 =	rddreg [dreg:$0x1];
	p0 =	sne.s32 s2, $0x0  }
0x81: {  	s3 =	rddreg [dreg:$0x2];
	[bflag:$0x3] =	sbarrier.arrive $0xFFFF;
	s2 =	simm.s32 @!p0 $0x1C04  }
0x82: {  	[timem:s3], [sflag:s2] =	dma.local @!p0 [hbm:s0], s1  }
0x83: {  	s0 =	simm.s32 @!p0 $0x4  }
0x84: {  	_ =	swait.ge @!p0 [sflag:s0], s1  }
0x85: {  	s1 =	ssub.s32 @!p0 $0x0, s1;
	[sflag:s0] =	ssyncset.done @!p0 $0x0  }
0x86: {  	[sflag:s0] =	ssyncadd.s32 @!p0 s1  }
0x87: {  	[bflag:$0x3] =	sbarrier.arrive $0xFFFF  }
0x88: {  	_ =	shalt  }

</sc_bundles>
